<compile_context>
chip_gen: v7x
topology: tpu7x:2x2x1
jax: 0.10.2.dev20260603
libtpu: 0.0.44.dev20260713+nightly
codegen_flags: <defaults>
</compile_context>

<pallas_src>
import jax
import jax.numpy as jnp
from jax.experimental import pallas as pl
from jax.experimental.pallas import tpu as pltpu

_N_CODES = 1024
_D = 256
_BT = 512
_N_TOK = 32768
_GRID = _N_TOK // _BT
_BETA = 0.25


def _vq_tile(zt_ref, zl_ref, e_ref, et_ref, e2_ref, out_ref, idx_ref,
             loss_ref, acc_ref):
    zt = zt_ref[0]
    e = e_ref[...]
    et = et_ref[...]
    s = jax.lax.dot_general(
        zt, et, (((0,), (0,)), ((), ())),
        preferred_element_type=jnp.float32)
    z2 = jnp.sum(zt * zt, axis=0, keepdims=True)
    z2c = z2.reshape(_BT, 1)
    e2 = e2_ref[0:1, :]
    d = (z2c + e2) - 2.0 * s
    m = jnp.min(d, axis=1, keepdims=True)
    iota = jax.lax.broadcasted_iota(jnp.int32, (_BT, _N_CODES), 1)
    cand = jnp.where(d == m, iota, _N_CODES)
    idx = jnp.min(cand, axis=1).astype(jnp.int32)
    idxc = idx.reshape(_BT, 1)
    oh = (iota == idxc).astype(jnp.float32)
    g = jax.lax.dot_general(
        oh, e, (((1,), (0,)), ((), ())),
        preferred_element_type=jnp.float32)
    out_ref[...] = g
    idx_ref[0, 0, :] = idx

    t = pl.program_id(0)

    @pl.when(t == 0)
    def _init():
        acc_ref[0] = 0.0

    diff = g - zl_ref[...]
    acc_ref[0] += jnp.sum(diff * diff)

    @pl.when(t == _GRID - 1)
    def _fin():
        val = acc_ref[0] * ((1.0 + _BETA) / (_N_TOK * _D))
        loss_ref[...] = jnp.full((1, 1), val, dtype=jnp.float32)


def kernel(z, embedding):
    zb = z.reshape(4, _D, 8192)
    zl = z.reshape(_N_TOK, _D)
    et = embedding.T
    e2 = jnp.sum(embedding ** 2, axis=1)
    e2b = jnp.broadcast_to(e2[None, :], (8, _N_CODES))

    out_flat, idx3, loss = pl.pallas_call(
        _vq_tile,
        grid=(_GRID,),
        in_specs=[
            pl.BlockSpec((1, _D, _BT), lambda t: (t // 16, 0, t % 16)),
            pl.BlockSpec((_BT, _D), lambda t: (t, 0)),
            pl.BlockSpec((_N_CODES, _D), lambda t: (0, 0)),
            pl.BlockSpec((_D, _N_CODES), lambda t: (0, 0)),
            pl.BlockSpec((8, _N_CODES), lambda t: (0, 0)),
        ],
        out_specs=[
            pl.BlockSpec((_BT, _D), lambda t: (t, 0)),
            pl.BlockSpec((1, 1, _BT), lambda t: (t, 0, 0)),
            pl.BlockSpec((1, 1), lambda t: (0, 0)),
        ],
        out_shape=[
            jax.ShapeDtypeStruct((_N_TOK, _D), jnp.float32),
            jax.ShapeDtypeStruct((_GRID, 1, _BT), jnp.int32),
            jax.ShapeDtypeStruct((1, 1), jnp.float32),
        ],
        scratch_shapes=[pltpu.SMEM((1,), jnp.float32)],
    )(zb, zl, embedding, et, e2b)

    z_q_out = out_flat.reshape(z.shape)
    encoding_indices = idx3.reshape(_N_TOK)
    vq_loss = loss.reshape(())
    return (z_q_out, vq_loss, encoding_indices)

# --- scband reference (transcript-rebuilt; emitter-appended) ---
"""Pipeline reference for scband-vector-quantizer-17532056502308 (READ-ONLY COPY).

The authoritative reference and input builder live on the scoring server;
editing this copy changes nothing except your own understanding.
"""

import jax, jax.numpy as jnp
import numpy as np

N_CODES = 1024
EMBED_DIM = 256
BETA = 0.25

def setup_inputs(seed: int = 0) -> dict:
    key = jax.random.key(seed)
    k1, k2 = jax.random.split(key)
    z = jax.random.normal(k1, (4, 256, 8, 32, 32), dtype=jnp.float32)
    # embedding initialized uniform(-1/n_codes, 1/n_codes) as in the torch module
    embedding = jax.random.uniform(k2, (N_CODES, EMBED_DIM), dtype=jnp.float32,
                                   minval=-1.0 / N_CODES, maxval=1.0 / N_CODES)
    return {"z": z, "embedding": embedding}

def reference(z, embedding):
    # z: [B, C, T, H, W], C == embedding_dim
    z_flattened = jnp.transpose(z, (0, 2, 3, 4, 1)).reshape(-1, EMBED_DIM)
    distances = (jnp.sum(z_flattened ** 2, axis=1, keepdims=True)
                 + jnp.sum(embedding ** 2, axis=1)
                 - 2.0 * jnp.matmul(z_flattened, embedding.T))
    encoding_indices = jnp.argmin(distances, axis=1)
    # faithful to the torch code: view(z.shape) WITHOUT permuting back
    z_q = jnp.take(embedding, encoding_indices, axis=0).reshape(z.shape)
    commitment_loss = jnp.mean((jax.lax.stop_gradient(z_q) - z) ** 2)
    codebook_loss = jnp.mean((z_q - jax.lax.stop_gradient(z)) ** 2)
    vq_loss = codebook_loss + BETA * commitment_loss
    z_q_out = z + jax.lax.stop_gradient(z_q - z)
    return (z_q_out, vq_loss, encoding_indices)

if __name__ == "__main__":
    import jax
    _d = setup_inputs()
    print(jax.jit(kernel)(*tuple(_d.values())))

</pallas_src>

<mosaic_0001>
module attributes {stable_mosaic.version = 14 : i64} {
  func.func @_vq_tile(%arg0: i32, %arg1: memref<1x256x512xf32, #tpu.memory_space<vmem>>, %arg2: memref<512x256xf32, #tpu.memory_space<vmem>>, %arg3: memref<1024x256xf32, #tpu.memory_space<vmem>>, %arg4: memref<256x1024xf32, #tpu.memory_space<vmem>>, %arg5: memref<8x1024xf32, #tpu.memory_space<vmem>>, %arg6: memref<512x256xf32, #tpu.memory_space<vmem>>, %arg7: memref<1x1x512xi32, #tpu.memory_space<vmem>>, %arg8: memref<1x1xf32, #tpu.memory_space<vmem>>, %arg9: memref<1xf32, #tpu.memory_space<smem>>) attributes {dimension_semantics = [#tpu.dimension_semantics<arbitrary>], iteration_bounds = array<i64: 64>, scalar_prefetch = 0 : i64, scratch_operands = 1 : i64, tpu.core_type = #tpu.core_type<tc>, window_params = [{transform_indices = @transform_0, window_bounds = array<i64: 1, 256, 512>}, {transform_indices = @transform_1, window_bounds = array<i64: 512, 256>}, {pipeline_mode = #tpu.pipeline_mode<synchronous>, transform_indices = @transform_2, window_bounds = array<i64: 1024, 256>}, {pipeline_mode = #tpu.pipeline_mode<synchronous>, transform_indices = @transform_3, window_bounds = array<i64: 256, 1024>}, {pipeline_mode = #tpu.pipeline_mode<synchronous>, transform_indices = @transform_4, window_bounds = array<i64: 8, 1024>}, {transform_indices = @transform_5, window_bounds = array<i64: 512, 256>}, {transform_indices = @transform_6, window_bounds = array<i64: 1, 1, 512>}, {pipeline_mode = #tpu.pipeline_mode<synchronous>, transform_indices = @transform_7, window_bounds = array<i64: 1, 1>}]} {
    %get3A = arith.constant 0 : index
    %get3A_0 = arith.constant 0 : index
    %get3A_1 = arith.constant 0 : index
    %get3A_2 = vector.load %arg1[%get3A, %get3A_0, %get3A_1] : memref<1x256x512xf32, #tpu.memory_space<vmem>>, vector<1x256x512xf32>
    %get3A_3 = vector.shape_cast %get3A_2 : vector<1x256x512xf32> to vector<256x512xf32>
    %get3A_4 = arith.constant 0 : index
    %get3A_5 = arith.constant 0 : index
    %get3A_6 = vector.load %arg3[%get3A_4, %get3A_5] : memref<1024x256xf32, #tpu.memory_space<vmem>>, vector<1024x256xf32>
    %get3A_7 = arith.constant 0 : index
    %get3A_8 = arith.constant 0 : index
    %get3A_9 = vector.load %arg4[%get3A_7, %get3A_8] : memref<256x1024xf32, #tpu.memory_space<vmem>>, vector<256x1024xf32>
    %dot_general3A = arith.constant dense<0.000000e+00> : vector<512x1024xf32>
    %dot_general3A_10 = tpu.matmul %get3A_3, %get3A_9, %dot_general3A {dimension_numbers = #tpu.dot_dimension_numbers<[0], [0], [1], [1], [0, 1, 1, 1], [], []>, transpose_lhs_hint = false} : vector<256x512xf32>, vector<256x1024xf32>, vector<512x1024xf32> -> vector<512x1024xf32>
    %mul3A = arith.mulf %get3A_3, %get3A_3 : vector<256x512xf32>
    %reduce_sum3A = arith.constant dense<0.000000e+00> : vector<512xf32>
    %reduce_sum3A_11 = vector.multi_reduction <add>, %mul3A, %reduce_sum3A [0] : vector<256x512xf32> to vector<512xf32>
    %broadcast_in_dim3A = vector.shape_cast %reduce_sum3A_11 : vector<512xf32> to vector<1x512xf32>
    %reshape3A = vector.shape_cast %broadcast_in_dim3A : vector<1x512xf32> to vector<512x1xf32>
    %get3A_12 = arith.constant 0 : index
    %get3A_13 = arith.constant 0 : index
    %get3A_14 = vector.load %arg5[%get3A_12, %get3A_13] : memref<8x1024xf32, #tpu.memory_space<vmem>>, vector<1x1024xf32>
    %add3A = vector.broadcast %reshape3A : vector<512x1xf32> to vector<512x1024xf32>
    %add3A_15 = vector.broadcast %get3A_14 : vector<1x1024xf32> to vector<512x1024xf32>
    %add3A_16 = arith.addf %add3A, %add3A_15 : vector<512x1024xf32>
    %mul3A_17 = arith.constant 2.000000e+00 : f32
    %mul3A_18 = vector.broadcast %mul3A_17 : f32 to vector<512x1024xf32>
    %mul3A_19 = arith.mulf %mul3A_18, %dot_general3A_10 : vector<512x1024xf32>
    %sub3A = arith.subf %add3A_16, %mul3A_19 : vector<512x1024xf32>
    %reduce_min3A = arith.constant dense<0x7F800000> : vector<512xf32>
    %reduce_min3A_20 = vector.multi_reduction <minimumf>, %sub3A, %reduce_min3A [1] : vector<512x1024xf32> to vector<512xf32>
    %broadcast_in_dim3A_21 = vector.shape_cast %reduce_min3A_20 : vector<512xf32> to vector<512x1xf32>
    %iota3A = tpu.iota {dimensions = array<i32: 1>} : vector<512x1024xi32>
    %eq3A = vector.broadcast %broadcast_in_dim3A_21 : vector<512x1xf32> to vector<512x1024xf32>
    %eq3A_22 = arith.cmpf oeq, %sub3A, %eq3A : vector<512x1024xf32>
    %jit3A = arith.constant 1024 : i32
    %broadcast_in_dim3A_23 = vector.broadcast %jit3A : i32 to vector<512x1024xi32>
    %select_n3A = arith.select %eq3A_22, %iota3A, %broadcast_in_dim3A_23 : vector<512x1024xi1>, vector<512x1024xi32>
    %reduce_min3A_24 = arith.constant dense<2147483647> : vector<512xi32>
    %reduce_min3A_25 = vector.multi_reduction <minsi>, %select_n3A, %reduce_min3A_24 [1] : vector<512x1024xi32> to vector<512xi32>
    %reshape3A_26 = vector.shape_cast %reduce_min3A_25 : vector<512xi32> to vector<512x1xi32>
    %eq3A_27 = vector.broadcast %reshape3A_26 : vector<512x1xi32> to vector<512x1024xi32>
    %eq3A_28 = arith.cmpi eq, %iota3A, %eq3A_27 : vector<512x1024xi32>
    %convert_element_type3A = arith.extui %eq3A_28 : vector<512x1024xi1> to vector<512x1024xi32>
    %convert_element_type3A_29 = arith.sitofp %convert_element_type3A : vector<512x1024xi32> to vector<512x1024xf32>
    %dot_general3A_30 = arith.constant dense<0.000000e+00> : vector<512x256xf32>
    %dot_general3A_31 = tpu.matmul %convert_element_type3A_29, %get3A_6, %dot_general3A_30 {dimension_numbers = #tpu.dot_dimension_numbers<[1], [0], [0], [1], [0, 0, 1, 1], [], []>, transpose_lhs_hint = false} : vector<512x1024xf32>, vector<1024x256xf32>, vector<512x256xf32> -> vector<512x256xf32>
    %swap3A = arith.constant 0 : index
    %swap3A_32 = arith.constant 0 : index
    %swap3A_33 = vector.load %arg6[%swap3A, %swap3A_32] : memref<512x256xf32, #tpu.memory_space<vmem>>, vector<512x256xf32>
    tpu.vector_store %arg6[%swap3A, %swap3A_32], %dot_general3A_31 {strides = array<i32>} : memref<512x256xf32, #tpu.memory_space<vmem>>, vector<512x256xf32>,
    %swap3A_34 = arith.constant 0 : index
    %swap3A_35 = arith.constant 0 : index
    %swap3A_36 = arith.constant 0 : index
    %swap3A_37 = vector.load %arg7[%swap3A_34, %swap3A_35, %swap3A_36] : memref<1x1x512xi32, #tpu.memory_space<vmem>>, vector<1x1x512xi32>
    %swap3A_38 = vector.shape_cast %swap3A_37 : vector<1x1x512xi32> to vector<512xi32>
    %swap3A_39 = vector.shape_cast %reduce_min3A_25 : vector<512xi32> to vector<1x1x512xi32>
    tpu.vector_store %arg7[%swap3A_34, %swap3A_35, %swap3A_36], %swap3A_39 {strides = array<i32>} : memref<1x1x512xi32, #tpu.memory_space<vmem>>, vector<1x1x512xi32>,
    %eq3A_40 = arith.constant 0 : i32
    %eq3A_41 = arith.cmpi eq, %arg0, %eq3A_40 : i32
    %convert_element_type3A_42 = arith.extui %eq3A_41 : i1 to i32
    %cond3A = arith.constant 0 : i32
    %cond3A_43 = arith.cmpi ne, %convert_element_type3A_42, %cond3A : i32
    scf.if %cond3A_43 {
      %swap3A_64 = arith.constant 0.000000e+00 : f32
      %swap3A_65 = arith.constant 0 : index
      %swap3A_66 = memref.load %arg9[%swap3A_65] : memref<1xf32, #tpu.memory_space<smem>>
      memref.store %swap3A_64, %arg9[%swap3A_65] : memref<1xf32, #tpu.memory_space<smem>>
    } else {
    }
    %get3A_44 = arith.constant 0 : index
    %get3A_45 = arith.constant 0 : index
    %get3A_46 = vector.load %arg2[%get3A_44, %get3A_45] : memref<512x256xf32, #tpu.memory_space<vmem>>, vector<512x256xf32>
    %sub3A_47 = arith.subf %dot_general3A_31, %get3A_46 : vector<512x256xf32>
    %get3A_48 = arith.constant 0 : index
    %get3A_49 = memref.load %arg9[%get3A_48] : memref<1xf32, #tpu.memory_space<smem>>
    %mul3A_50 = arith.mulf %sub3A_47, %sub3A_47 : vector<512x256xf32>
    %reduce_sum3A_51 = vector.shape_cast %mul3A_50 : vector<512x256xf32> to vector<1x512x256xf32>
    %reduce_sum3A_52 = arith.constant dense<0.000000e+00> : vector<1xf32>
    %reduce_sum3A_53 = vector.multi_reduction <add>, %reduce_sum3A_51, %reduce_sum3A_52 [1, 2] : vector<1x512x256xf32> to vector<1xf32>
    %reduce_sum3A_54 = vector.shape_cast %reduce_sum3A_53 : vector<1xf32> to vector<1x1x1xf32>
    %reduce_sum3A_55 = vector.extract %reduce_sum3A_54[0, 0, 0] : f32 from vector<1x1x1xf32>
    %add3A_56 = arith.addf %get3A_49, %reduce_sum3A_55 : f32
    %swap3A_57 = arith.constant 0 : index
    %swap3A_58 = memref.load %arg9[%swap3A_57] : memref<1xf32, #tpu.memory_space<smem>>
    memref.store %add3A_56, %arg9[%swap3A_57] : memref<1xf32, #tpu.memory_space<smem>>
    %eq3A_59 = arith.constant 63 : i32
    %eq3A_60 = arith.cmpi eq, %arg0, %eq3A_59 : i32
    %convert_element_type3A_61 = arith.extui %eq3A_60 : i1 to i32
    %cond3A_62 = arith.constant 0 : i32
    %cond3A_63 = arith.cmpi ne, %convert_element_type3A_61, %cond3A_62 : i32
    scf.if %cond3A_63 {
      %get3A_64 = arith.constant 0 : index
      %get3A_65 = memref.load %arg9[%get3A_64] : memref<1xf32, #tpu.memory_space<smem>>
      %mul3A_66 = arith.constant 1.49011612E-7 : f32
      %mul3A_67 = arith.mulf %get3A_65, %mul3A_66 : f32
      %broadcast_in_dim3A_68 = vector.broadcast %mul3A_67 : f32 to vector<1x1xf32>
      %swap3A_69 = arith.constant 0 : index
      %swap3A_70 = arith.constant 0 : index
      %swap3A_71 = vector.load %arg8[%swap3A_69, %swap3A_70] : memref<1x1xf32, #tpu.memory_space<vmem>>, vector<1x1xf32>
      tpu.vector_store %arg8[%swap3A_69, %swap3A_70], %broadcast_in_dim3A_68 {strides = array<i32>} : memref<1x1xf32, #tpu.memory_space<vmem>>, vector<1x1xf32>,
    } else {
    }
    return
  }
  func.func @transform_0(%arg0: i32) -> (i32, i32, i32) {
    %jit3A = arith.constant 16 : i32
    %div3A = arith.divsi %arg0, %jit3A : i32
    %sign3A = arith.constant 0 : i32
    %sign3A_0 = arith.cmpi sgt, %arg0, %sign3A : i32
    %sign3A_1 = arith.extui %sign3A_0 : i1 to i32
    %sign3A_2 = arith.constant 0 : i32
    %sign3A_3 = arith.cmpi slt, %arg0, %sign3A_2 : i32
    %sign3A_4 = arith.extui %sign3A_3 : i1 to i32
    %sign3A_5 = arith.subi %sign3A_1, %sign3A_4 : i32
    %sign3A_6 = arith.constant 0 : i32
    %sign3A_7 = arith.cmpi sgt, %jit3A, %sign3A_6 : i32
    %sign3A_8 = arith.extui %sign3A_7 : i1 to i32
    %sign3A_9 = arith.constant 0 : i32
    %sign3A_10 = arith.cmpi slt, %jit3A, %sign3A_9 : i32
    %sign3A_11 = arith.extui %sign3A_10 : i1 to i32
    %sign3A_12 = arith.subi %sign3A_8, %sign3A_11 : i32
    %ne3A = arith.cmpi ne, %sign3A_5, %sign3A_12 : i32
    %rem3A = arith.remsi %arg0, %jit3A : i32
    %ne3A_13 = arith.constant 0 : i32
    %ne3A_14 = arith.cmpi ne, %rem3A, %ne3A_13 : i32
    %and3A = arith.andi %ne3A, %ne3A_14 : i1
    %sub3A = arith.constant 1 : i32
    %sub3A_15 = arith.subi %div3A, %sub3A : i32
    %select_n3A = arith.select %and3A, %sub3A_15, %div3A : i32
    %jit3A_16 = arith.constant 16 : i32
    %eq3A = arith.constant 0 : i32
    %eq3A_17 = arith.cmpi eq, %jit3A_16, %eq3A : i32
    %jit3A_18 = arith.constant 1 : i32
    %select_n3A_19 = arith.select %eq3A_17, %jit3A_18, %jit3A_16 : i32
    %rem3A_20 = arith.remsi %arg0, %select_n3A_19 : i32
    %ne3A_21 = arith.constant 0 : i32
    %ne3A_22 = arith.cmpi ne, %rem3A_20, %ne3A_21 : i32
    %lt3A = arith.constant 0 : i32
    %lt3A_23 = arith.cmpi slt, %rem3A_20, %lt3A : i32
    %lt3A_24 = arith.constant 0 : i32
    %lt3A_25 = arith.cmpi slt, %select_n3A_19, %lt3A_24 : i32
    %ne3A_26 = arith.xori %lt3A_23, %lt3A_25 : i1
    %and3A_27 = arith.andi %ne3A_26, %ne3A_22 : i1
    %add3A = arith.addi %rem3A_20, %select_n3A_19 : i32
    %select_n3A_28 = arith.select %and3A_27, %add3A, %rem3A_20 : i32
    %c0_i32 = arith.constant 0 : i32
    %c0_i32_29 = arith.constant 0 : i32
    return %select_n3A, %c0_i32, %select_n3A_28 : i32, i32, i32
  }
  func.func @transform_1(%arg0: i32) -> (i32, i32) {
    %c0_i32 = arith.constant 0 : i32
    %c0_i32_0 = arith.constant 0 : i32
    return %arg0, %c0_i32 : i32, i32
  }
  func.func @transform_2(%arg0: i32) -> (i32, i32) {
    %c0_i32 = arith.constant 0 : i32
    %c0_i32_0 = arith.constant 0 : i32
    %c0_i32_1 = arith.constant 0 : i32
    return %c0_i32, %c0_i32_0 : i32, i32
  }
  func.func @transform_3(%arg0: i32) -> (i32, i32) {
    %c0_i32 = arith.constant 0 : i32
    %c0_i32_0 = arith.constant 0 : i32
    %c0_i32_1 = arith.constant 0 : i32
    return %c0_i32, %c0_i32_0 : i32, i32
  }
  func.func @transform_4(%arg0: i32) -> (i32, i32) {
    %c0_i32 = arith.constant 0 : i32
    %c0_i32_0 = arith.constant 0 : i32
    %c0_i32_1 = arith.constant 0 : i32
    return %c0_i32, %c0_i32_0 : i32, i32
  }
  func.func @transform_5(%arg0: i32) -> (i32, i32) {
    %c0_i32 = arith.constant 0 : i32
    %c0_i32_0 = arith.constant 0 : i32
    return %arg0, %c0_i32 : i32, i32
  }
  func.func @transform_6(%arg0: i32) -> (i32, i32, i32) {
    %c0_i32 = arith.constant 0 : i32
    %c0_i32_0 = arith.constant 0 : i32
    %c0_i32_1 = arith.constant 0 : i32
    return %arg0, %c0_i32, %c0_i32_0 : i32, i32, i32
  }
  func.func @transform_7(%arg0: i32) -> (i32, i32) {
    %c0_i32 = arith.constant 0 : i32
    %c0_i32_0 = arith.constant 0 : i32
    %c0_i32_1 = arith.constant 0 : i32
    return %c0_i32, %c0_i32_0 : i32, i32
  }
}

</mosaic_0001>

<sc_bundles>
// kernel: sparse-core-data-format-call.cloned.1.call-start
scs
called_computation_lowered:
.L_overlay_start_0:
0x0: {  	s2 =	sld [smem:$0x3FD9]  }
0x1: {  	s3 =	sld [smem:$0x3FFE];
	_ =	sdelay $0x1  }
0x2: {  	s1 =	srdreg.scid  }
0x3: {  	s0 =	sand.u32 $0x1, s1  }
0x4: {  	s15 =	sshll.u32 s0, $0xA;
	s2 =	sadd.s32 s3, s2  }
0x5: {  	s2 =	sadd.s32 s2, s15  }
0x6: {  	[smem:$0x3FC6] =	sst s2  }
0x7: {  	_ = 	snop  }
0x8: {  	s2 =	sld [smem:$0x3FD0];
	_ =	sdelay $0x2  }
0x9: {  	s16 =	simm.s32 $0xA;
	s4 =	simm.s32 $0x10  }
0xa: {  	[smem:s4], [sflag:s16] =	dma.local [hbm:s2], $0x1  }
0xb: {  	_ =	swait.eq [sflag:s16], $0x1  }
0xc: {  	[sflag:s16] =	ssyncset.done $0x0  }
0xd: {  	[sflag:s16] =	ssyncadd.s32 $0xFFFFFFFF  }
0xe: {  	s17 =	sld [smem:$0x10];
	(tm) =	ssettm $0x1  }
0xf: {  	s18 =	sld [smem:$0x3FFB];
	_ =	sdelay $0x3  }
0x10: {  	_ =	strace s18  }
0x11: {  	s3 =	sld [smem:$0x3FFC];
	_ =	sdelay $0x3  }
0x12: {  	_ =	strace s3  }
0x13: {  	s3 =	sld [smem:$0x3FFD];
	_ =	sdelay $0x3  }
0x14: {  	_ =	strace s3  }
0x15: {  	_ =	strace $0x8FFFFFFF  }
0x16: {  	s19 =	sld [smem:$0x3FDB];
	_ =	sdelay $0x1  }
0x17: {  	s20 =	simm.s32 $_scs_section_size  }
0x18: {  	s5 =	simm.s32 $_size__tile_overlayer_lowered;
	s6 =	simm.s32 $_tile_overlayer_lowered  }
0x19: {  	s23 =	simm.s32 $0x1BFF;
	s22 =	sshll.u32 s6, $0x1;
	s3 =	sadd.s32 s20, s19  }
0x1a: {  	s7 =	simm.s32 $0x0;
	s21 =	sshll.u32 s5, $0x1;
	s5 =	sadd.s32 s22, s3  }
0x1b: {  	[timem:s7], [sflag:s23] =	dma.local [hbm:s5], s21  }
0x1c: {  	_ =	swait.ge [sflag:s23], s21  }
0x1d: {  	s4 =	ssub.s32 $0x0, s21;
	[sflag:s23] =	ssyncset.done $0x0  }
0x1e: {  	[sflag:s23] =	ssyncadd.s32 s4;
	_ =	sdelay $0x1  }
0x1f: {  	s24 =	simm.s32 $0x1B8B  }
0x20: {  	_ =	swait.ge [sflag:s24], $0x1  }
0x21: {  	[sflag:s24] =	ssyncset.done $0x0  }
0x22: {  	s26 =	simm.s32 $0x1B8E;
	s25 =	sld [smem:$0x3FFE];
	[sflag:s24] =	ssyncadd.s32 $0xFFFFFFFF  }
0x23: {  	s27 =	simm.s32 $execute0_lowered;
	[smem:$0x3FD2] =	sst s26  }
0x24: {  	s5 =	sshll.u32 s27, $0x1;
	_ =	strace $0x80000046;
	[dreg:$0x1] =	wrdreg $0xFFFFFFFF  }
0x25: {  	s28 =	simm.s32 $_size_execute0_lowered;
	s3 =	sadd.s32 s3, s5;
	[dreg:$0x0] =	wrdreg $0x0  }
0x26: {  	s5 =	sshll.u32 s28, $0x1;
	[dreg:$0x2] =	wrdreg s3  }
0x27: {  	[dreg:$0x3] =	wrdreg s5  }
0x28: {  	[dreg:$0x4] =	wrdreg $0xC0  }
0x29: {  	_ =	task [dreg:s7], $0x5FFFF  }
0x2a: {  	[dreg:$0x1] =	wrdreg $0xFFFFFFFF  }
0x2b: {  	[dreg:$0x0] =	wrdreg $0x60  }
0x2c: {  	[dreg:$0x2] =	wrdreg s25  }
0x2d: {  	[dreg:$0x3] =	wrdreg s17  }
0x2e: {  	[dreg:$0x4] =	wrdreg $0x9  }
0x2f: {  	_ =	task.clear_ibuf [dreg:s7], $0x5FFFF;
	_ =	strace $0x90000046  }
0x30: {  	s29 =	simm.s32 $0x9;
	_ =	strace $0x80000048  }
0x31: {  	_ =	swait.ge [sflag:s29], $0x1  }
0x32: {  	[sflag:s29] =	ssyncadd.s32 $0xFFFFFFFF  }
0x33: {  	_ =	strace $0x90000048  }
0x34: {  	_ =	sfence  }
0x35: {  	s30 =	sld [smem:$0x0];
	_ =	sdelay $0x2  }
0x36: {  	s31 =	sshll.u32 s1, $0xD;
	s1 =	sshrl.u32 s1, $0x2  }
0x37: {  	s3 =	sand.u32 $0x4000, s31;
	s1 =	sadd.s32 s1, s30  }
0x38: {  	s0 =	sor.u32 s3, s0;
	s1 =	sshll.u32 s1, $0x11  }
0x39: {  	s0 =	sor.u32 s1, s0  }
0x3a: {  	s0 =	sadd.s32 $0x8F2B, s0  }
0x3b: {  	[sflag:s0] =	ssyncadd.remote.s32 $0x1  }
0x3c: {  	_ =	sfence.sel $0xFFFF  }
0x3d: {  	[dreg:$0x0] =	wrdreg $0xFFFFFFFF;
	(pc) =	sbr.abs _section_cstart, $3  }
0x3e: {  	[dreg:$0x1] =	wrdreg $0xFFFFFFFF  }
0x3f: {  	_ =	task.clear_ibuf [dreg:s7], $0x2FFFF;
	_ =	strace $0x9FFFFFFF  }
0x40: {  	(tm) =	ssettm $0x7FFFFFFF  }
0x41: {  	_ =	shalt  }
tec
execute0_lowered:
.L_overlay_start_1:
0x0: {  	(tag) =	ssettag $0x1  }
0x1: {  	s9 =	rddreg [dreg:$0x0]  }
0x2: {  	s2 =	rddreg [dreg:$0x1]  }
0x3: {  	s0 =	rddreg [dreg:$0x2];
	s1 =	stileid.u32;
	_ =	strace $0x80000047  }
0x4: {  	s6 =	srdreg.scid;
	s31 =	simm.s32 $0x2;
	s21 =	simm.s32 $0x0  }
0x5: {  	p0 =	por $0x0, $0x0;
	s18 =	simm.s32 $0x0;
	s20 =	simm.s32 $0x0  }
0x6: {  	s19 =	simm.s32 $0x0;
	s22 =	simm.s32 $0x0;
	s12 =	simm.s32 $0x0  }
0x7: {  	s14 =	simm.s32 $0x0;
	s17 =	simm.s32 $0x0;
	s4 =	sshll.u32 s1, $0x1  }
0x8: {  	s5 =	sshll.u32 s1, $0x6;
	s3 =	sadd.s32 $0x100400, s9;
	s6 =	sshll.u32 s6, $0x4  }
0x9: {  	s9 =	sadd.s32 $0x200400, s9;
	s4 =	sand.u32 $0x2, s4;
	s5 =	sand.u32 $0x80, s5  }
0xa: {  	s29 =	sand.u32 $0x10, s6;
	s7 =	ssub.s32 $0x4, s4;
	s8 =	ssub.s32 $0x100, s5  }
0xb: {  	s10 =	sshrl.u32 s7, $0x2;
	s7 =	sshrl.u32 s7, $0x1;
	s11 =	sshrl.u32 s8, $0x7  }
0xc: {  	s8 =	sshrl.u32 s8, $0x8;
	s7 =	sand.u32 $0x1, s7;
	s11 =	sand.u32 $0x1, s11  }
.Ltmp0:
0xd: {  	s7 =	sadd.s32 s10, s7;
	s8 =	sadd.s32 s8, s11;
	(pc) =	sbr.rel .LBB1_1-.Ltmp0, $4  }
0xe: {  	s6 =	simm.s32 $0x1;
	s30 =	sor.u32 s1, s29;
	s8 =	smul.u32 s7, s8  }
0xf: {  	[sflag:s6] =	ssyncpa.u1 $0x0;
	s15 =	smov.u32 s5;
	s16 =	smov.u32 s4  }
0x10: {  	[sflag:s31] =	ssyncpa.u1 $0x0;
	s7 =	sshrl.u32 s30, $0x2;
	s8 =	sshll.u32 s8, $0x4  }
0x11: {  	s11 =	simm.s32 $0x40000;
	s13 =	smov.u32 s7;
	s10 =	sor.u32 $0x1, s8  }
.LBB1_9:
0x12: {  	s23 =	sadd.s32 $0x8, s12  }
0x13: {  	s18 =	sadd.s32 $0x8, s13;
	s24 =	smov.u32 s13;
	p2 =	sgt.s32 s23, $0x1F  }
0x14: {  	s24 =	smov.u32 @p2 s18  }
0x15: {  	s25 =	smov.u32 s14;
	s18 =	sadd.s32 $0x8, s14;
	p3 =	sgt.s32 s24, $0x1F  }
0x16: {  	s25 =	smov.u32 @p3 s18  }
0x17: {  	s26 =	smov.u32 s15;
	s18 =	sadd.s32 $0x100, s15;
	p4 =	sgt.s32 s25, $0x7  }
0x18: {  	p1 =	slt.u32 s17, $0x2;
	s27 =	smov.u32 s16;
	s26 =	smov.u32 @p4 s18  }
0x19: {  	s21 =	smov.u32 s12;
	s18 =	sadd.s32 $0x4, s16;
	p5 =	sgt.s32 s26, $0xFF  }
0x1a: {  	s20 =	smov.u32 s14;
	s19 =	smov.u32 s15;
	s27 =	smov.u32 @p5 s18  }
0x1b: {  	s22 =	smov.u32 s16;
	s23 =	simm.s32 @p2 $0x0;
	p2 =	sgt.s32 s27, $0x3  }
0x1c: {  	s28 =	simm.s32 @!p1 $0x2;
	s27 =	smov.u32 @p2 s4;
	p2 =	sne.s32 s17, s10  }
.Ltmp1:
0x1d: {  	p0 =	por !p0, !p0;
	_ =	swait.ge @!p1 [sflag:s28], $0x4000;
	(pc) =	sbr.rel @!p2 .LBB1_10-.Ltmp1, $4  }
0x1e: {  	[sflag:s28] =	ssyncset.done @!p1 $0x0;
	s12 =	smov.u32 s23;
	s25 =	simm.s32 @p4 $0x0  }
0x1f: {  	s24 =	smov.u32 @p3 s7;
	[sflag:s28] =	ssyncadd.s32 @!p1 $0xFFFFC000;
	s14 =	smov.u32 s25  }
0x20: {  	s26 =	smov.u32 @p5 s5;
	s18 =	smov.u32 s13;
	s13 =	smov.u32 s24  }
0x21: {  	s15 =	smov.u32 s26;
	s17 =	sadd.s32 $0x1, s17;
	s16 =	smov.u32 s27  }
.LBB1_1:
0x22: {  	p1 =	sge.u32 s17, s8  }
0x23: {  	s23 =	sshll.u32 @!p1 s13, $0x7;
	s24 =	sshll.u32 @!p1 s12, $0x3;
	s25 =	sxor.u32 @!p1 $0xFFFFFFFF, s17  }
0x24: {  	s28 =	sshll.u32 @!p1 s14, $0x9;
	s29 =	sshrl.u32 @!p1 s12, $0x3;
	s30 =	sand.u32 @!p1 $0x7, s12  }
0x25: {  	s31 =	simm.s32 @!p1 $0x1000;
	s26 =	sand.u32 @!p1 $0xC00, s23;
	s24 =	sand.u32 @!p1 $0xC00, s24  }
0x26: {  	s25 =	sshll.u32 @!p1 s25, $0xE;
	s23 =	sand.u32 @!p1 $0x380, s23;
	s24 =	sadd.s32 @!p1 s26, s24  }
0x27: {  	s26 =	sshll.u32 @!p1 s15, $0xC;
	s23 =	sor.u32 @!p1 s23, s24;
	s24 =	sshll.u32 @!p1 s16, $0x14  }
0x28: {  	s29 =	sand.u32 @!p1 $0xF, s29;
	s30 =	sshll.u32 @!p1 s30, $0x12;
	s27 =	sadd.s32 @!p1 s24, s26  }
0x29: {  	s25 =	sand.u32 @!p1 $0x4000, s25;
	s24 =	sadd.s32 @!p1 s24, s9;
	s27 =	sadd.s32 @!p1 s3, s27  }
0x2a: {  	s23 =	sshrl.u32 @!p1 s23, $0x3;
	s24 =	sadd.s32 @!p1 s26, s24;
	s27 =	sadd.s32 @!p1 s28, s27  }
0x2b: {  	s23 =	sand.u32 @!p1 $0x1F0, s23;
	s24 =	sadd.s32 @!p1 s28, s24;
	s27 =	sadd.s32 @!p1 s29, s27  }
0x2c: {  	s30 =	sor.u32 @!p1 $0x8, s30;
	s24 =	sadd.s32 @!p1 s29, s24;
	s27 =	sadd.s32 @!p1 s23, s27  }
0x2d: {  	[tilespmem:s25], [sflag:$0x1] =	stream.strided.gather @!p1 [hbm4b:s27+s30], $0x2000, s31, s30, $0x38;
	[tilespmem:$0x10100] =	vst v63  }
0x2e: {  	s23 =	sadd.s32 @!p1 s23, s24;
	s24 =	sor.u32 @!p1 $0x2000, s25  }
0x2f: {  	[tilespmem:s24], [sflag:$0x1] =	stream.strided.gather @!p1 [hbm4b:s23+s30], $0x2000, s31, s30, $0x38;
	[tilespmem:$0x10100] =	vst v63  }
0x30: {  	s31 =	sadd.s32 $0xFFFFFFFF, s17  }
0x31: {  	p1 =	sge.u32 s31, s8  }
.Ltmp2:
0x32: {  	_ = 	snop;
	(pc) =	sbr.rel @p1 .LBB1_9-.Ltmp2, $1  }
0x33: {  	_ =	sdelay $0x3  }
0x34: {  	s23 =	simm.s32 $0x1;
	s25 =	sand.u32 $0x1, s17  }
0x35: {  	_ =	swait.ge [sflag:s6], $0x4000;
	s23 =	simm.s32 @!p0 $0x0;
	s25 =	smul.u32 $0x10200, s25  }
0x36: {  	[sflag:s6] =	ssyncset.done $0x0;
	s24 =	smul.u32 $0x10200, s23  }
0x37: {  	p2 =	por $0x1, $0x1;
	s26 =	sshll.u32 s23, $0x10;
	[sflag:s6] =	ssyncadd.s32 $0xFFFFC000  }
0x38: {  	s31 =	sshrl.u32 s25, $0x2;
	s25 =	sshrl.u32 s26, $0x2;
	s24 =	sshrl.u32 s24, $0x2  }
0x39: {  	s26 =	simm.s32 $0x0;
	s23 =	sor.u32 $0x8000, s31;
	s24 =	sor.u32 $0x8000, s24  }
.LBB1_3:
0x3a: {  	s27 =	smul.u32 $0x8100, s26  }
0x3b: {  	s31 =	sshll.u32 s26, $0xF  }
0x3c: {  	p1 =	por p2, p2;
	s28 =	sshra.s32 s31, $0x2;
	s27 =	sshra.s32 s27, $0x2  }
0x3d: {  	s26 =	sadd.s32 s27, s24;
	s27 =	sadd.s32 s28, s25;
	s28 =	simm.s32 $0x0  }
.LBB1_4:
0x3e: {  	v0 =	vmov s27;
	_ =	sdelay $0x3  }
0x3f: {  	s29 =	simm.s32 $0x0  }
0x40: {  	v1 =	vld.idx.msk [tilespmem:v0+s29+$0x0 ss:$0x1], $0xff;
	_ =	sdelay $0x2  }
0x41: {  	s30 =	simm.s32 $0x20;
	s29 =	smov.u32 s26  }
.LBB1_5:
0x42: {  	s31 =	sshra.s32 s30, $0x2;
	p2 =	sne.s32 s30, $0xE0;
	s30 =	sadd.s32 $0x20, s30  }
.Ltmp3:
0x43: {  	[tilespmem:s29+$0x0 ss:$0x81] =	vst.msk $0xff, v1;
	v1 =	vld.idx.msk [tilespmem:v0+s31+$0x0 ss:$0x1], $0xff;
	(pc) =	sbr.rel @p2 .LBB1_5-.Ltmp3, $2  }
0x44: {  	_ =	sdelay $0x2  }
0x45: {  	s29 =	sadd.s32 $0x408, s29  }
0x46: {  	s28 =	sadd.s32 $0x1, s28  }
0x47: {  	p2 =	sne.s32 s28, $0x80  }
.Ltmp4:
0x48: {  	_ = 	snop;
	(pc) =	sbr.rel @p2 .LBB1_4-.Ltmp4, $2  }
0x49: {  	_ =	sdelay $0x2  }
0x4a: {  	[tilespmem:s29+$0x0 ss:$0x81] =	vst.msk $0xff, v1;
	s26 =	sadd.s32 $0x1, s26;
	s27 =	sadd.s32 $0x40, s27  }
.Ltmp5:
0x4b: {  	(pc) =	sbr.rel @p1 .LBB1_3-.Ltmp5, $2  }
0x4c: {  	_ =	sdelay $0x2  }
0x4d: {  	s26 =	simm.s32 $0x1;
	p2 =	por $0x0, $0x0  }
0x4e: {  	s24 =	sshll.u32 s21, $0x8;
	s25 =	sshll.u32 s19, $0x3;
	s28 =	sshll.u32 s21, $0x7  }
0x4f: {  	s26 =	sand.u32 $0x78, s19;
	s22 =	sshll.u32 s22, $0x12;
	s20 =	sshll.u32 s20, $0xF  }
0x50: {  	s18 =	sshll.u32 s18, $0xA;
	s30 =	sand.u32 $0x7, s19;
	s24 =	sand.u32 $0x1800, s24  }
0x51: {  	s25 =	sand.u32 $0x1C00, s25;
	s29 =	sand.u32 $0x300, s28;
	s21 =	sand.u32 $0x80, s28  }
0x52: {  	s22 =	sadd.s32 s2, s22;
	s24 =	sadd.s32 s25, s24;
	s21 =	sor.u32 s26, s21  }
.Ltmp6:
0x53: {  	s20 =	sadd.s32 s20, s22;
	s24 =	sor.u32 s29, s24;
	(pc) =	sbr.rel .LBB1_9-.Ltmp6, $4  }
0x54: {  	s21 =	sshrl.u32 s21, $0x3;
	s18 =	sadd.s32 s18, s20;
	s24 =	sshrl.u32 s24, $0x3  }
0x55: {  	s19 =	sshll.u32 s30, $0x12;
	s18 =	sadd.s32 s21, s18;
	s31 =	sand.u32 $0x3E0, s24  }
0x56: {  	s19 =	sor.u32 $0x400, s19;
	s18 =	sadd.s32 s31, s18  }
0x57: {  	[hbm4b:s18+s19] =	stream.strided.scatter [tilespmem:s23], [sflag:$0x2], $0x4000, s11, s19, $0x20;
	[tilespmem:$0x10100] =	vst v63  }
.LBB1_10:
0x58: {  	_ =	sfence.sel $0x180000  }
0x59: {  	s2 =	simm.s32 $0x1;
	[bflag:$0x0] =	sbarrier.arrive $0xFFFF  }
0x5a: {  	s31 =	simm.s32 $0x2;
	[sflag:s2] =	ssyncpa.u1 $0x1  }
0x5b: {  	[sflag:s31] =	ssyncpa.u1 $0x1  }
0x5c: {  	p0 =	sne.s32 s1, $0x0;
	_ =	strace $0x90000047  }
0x5d: {  	s0 =	sadd.s32 @!p0 $0x100000, s0;
	[bflag:$0x2] =	sbarrier.arrive $0xFFFF  }
0x5e: {  	[sflag:s0] =	ssyncadd.tile.s32 @!p0 $0x1;
	_ =	shalt  }
.Lfunc_end1:
_tile_overlayer_lowered:
.L_overlay_start_2:
0x5f: {  	(tag) =	ssettag $0x2  }
0x60: {  	s0 =	rddreg [dreg:$0x0];
	s2 =	stileid.u32  }
0x61: {  	s1 =	rddreg [dreg:$0x1];
	p0 =	sne.s32 s2, $0x0  }
0x62: {  	s3 =	rddreg [dreg:$0x2];
	[bflag:$0x3] =	sbarrier.arrive $0xFFFF;
	s2 =	simm.s32 @!p0 $0x1C01  }
0x63: {  	[timem:s3], [sflag:s2] =	dma.local @!p0 [hbm:s0], s1  }
0x64: {  	s0 =	simm.s32 @!p0 $0x1  }
0x65: {  	_ =	swait.ge @!p0 [sflag:s0], s1  }
0x66: {  	s1 =	ssub.s32 @!p0 $0x0, s1;
	[sflag:s0] =	ssyncset.done @!p0 $0x0  }
0x67: {  	[sflag:s0] =	ssyncadd.s32 @!p0 s1  }
0x68: {  	[bflag:$0x3] =	sbarrier.arrive $0xFFFF  }
0x69: {  	_ =	shalt  }

</sc_bundles>
